<compile_context>
chip_gen: v7x
topology: tpu7x:2x2x1
jax: 0.10.2.dev20260603
libtpu: 0.0.44.dev20260713+nightly
codegen_flags: <defaults>
</compile_context>

<pallas_src>
import functools

import jax
import jax.numpy as jnp
from jax import lax
from jax.experimental import pallas as pl
from jax.experimental.pallas import tpu as pltpu
from jax.experimental.pallas import tpu_sc as plsc

BATCH = 20
SEQ = 8192
DIM = 64
N = BATCH * SEQ

NUM_CORES = 2
NUM_SUBCORES = 16
NW = NUM_CORES * NUM_SUBCORES
PER_W = N // NW

CHUNK = 512
NCHUNK = PER_W // CHUNK
NBUF = 2

_mesh = plsc.VectorSubcoreMesh(core_axis_name="c", subcore_axis_name="s")


@functools.partial(
    pl.kernel,
    mesh=_mesh,
    compiler_params=pltpu.CompilerParams(use_tc_tiling_on_sc=False),
    out_type=jax.ShapeDtypeStruct((N, DIM), jnp.float32),
    scratch_types=[
        pltpu.VMEM((PER_W,), jnp.int32),
        *[pltpu.VMEM((CHUNK, DIM), jnp.float32) for _ in range(NBUF)],
        *[pltpu.SemaphoreType.DMA for _ in range(NBUF)],
        *[pltpu.SemaphoreType.DMA for _ in range(NBUF)],
    ],
)
def _sc_gather(idx_hbm, table_hbm, out_hbm, idx_v, *rest):
    bufs = rest[:NBUF]
    gsems = rest[NBUF : 2 * NBUF]
    ssems = rest[2 * NBUF : 3 * NBUF]

    wid = lax.axis_index("s") * NUM_CORES + lax.axis_index("c")
    base = wid * PER_W

    pltpu.sync_copy(idx_hbm.at[pl.ds(base, PER_W)], idx_v)

    gathers = [None] * NBUF
    scatters = [None] * NBUF
    for i in range(min(NBUF, NCHUNK)):
        gathers[i] = pltpu.async_copy(
            table_hbm.at[idx_v.at[pl.ds(i * CHUNK, CHUNK)]], bufs[i], gsems[i]
        )
    for i in range(NCHUNK):
        b = i % NBUF
        gathers[b].wait()
        scatters[b] = pltpu.async_copy(
            bufs[b], out_hbm.at[pl.ds(base + i * CHUNK, CHUNK)], ssems[b]
        )
        j = i + NBUF
        if j < NCHUNK:
            scatters[b].wait()
            gathers[b] = pltpu.async_copy(
                table_hbm.at[idx_v.at[pl.ds(j * CHUNK, CHUNK)]], bufs[b], gsems[b]
            )
    for i in range(max(0, NCHUNK - NBUF), NCHUNK):
        scatters[i % NBUF].wait()


def kernel(inputs, table):
    flat_idx = inputs.reshape(-1)
    rows = _sc_gather(flat_idx, table)
    return rows.reshape(BATCH, -1)

# --- scband reference (transcript-rebuilt; emitter-appended) ---
"""Pipeline reference for scband-transistion-encodel-model-68547678045056 (READ-ONLY COPY).

The authoritative reference and input builder live on the scoring server;
editing this copy changes nothing except your own understanding.
"""

import jax, jax.numpy as jnp
import numpy as np

VOCAB = 1000000
EMBED_DIM = 64
BATCH_SIZE = 20
SEQ = 8192


def setup_inputs(seed: int = 0) -> dict:
    key = jax.random.key(seed)
    k_idx, k_tab = jax.random.split(key)
    inputs = jax.random.randint(k_idx, (BATCH_SIZE, SEQ), 0, VOCAB, dtype=jnp.int64 if jax.config.jax_enable_x64 else jnp.int32).astype(jnp.int32)
    table = jax.random.normal(k_tab, (VOCAB, EMBED_DIM), dtype=jnp.float32)
    return {"inputs": inputs, "table": table}


def reference(inputs, table):
    # nn.Embedding lookup: gather rows of the table
    embeds = jnp.take(table, inputs, axis=0)  # [B, SEQ, EMBED_DIM]
    # forward: embeds.view(batch_size, -1) with hardcoded global batch_size=20
    return embeds.reshape(BATCH_SIZE, -1)

if __name__ == "__main__":
    import jax
    _d = setup_inputs()
    print(jax.jit(kernel)(*tuple(_d.values())))

</pallas_src>

<mosaic_0001>
#map = affine_map<(d0, d1) -> (0)>
#map1 = affine_map<(d0, d1) -> (0, 0)>
module attributes {stable_mosaic.version = 14 : i64} {
  func.func @_sc_gather(%arg0: i32, %arg1: i32, %arg2: memref<163840xi32, #tpu.memory_space<hbm>>, %arg3: memref<1000000x64xf32, #tpu.memory_space<hbm>>, %arg4: memref<163840x64xf32, #tpu.memory_space<hbm>>, %arg5: memref<5120xi32, #tpu.memory_space<vmem>>, %arg6: memref<512x64xf32, #tpu.memory_space<vmem>>, %arg7: memref<512x64xf32, #tpu.memory_space<vmem>>, %arg8: memref<!tpu.dma_semaphore, #tpu.memory_space<semaphore_mem>>, %arg9: memref<!tpu.dma_semaphore, #tpu.memory_space<semaphore_mem>>, %arg10: memref<!tpu.dma_semaphore, #tpu.memory_space<semaphore_mem>>, %arg11: memref<!tpu.dma_semaphore, #tpu.memory_space<semaphore_mem>>) attributes {dimension_semantics = [#tpu.dimension_semantics<core_parallel>, #tpu.dimension_semantics<subcore_parallel>], iteration_bounds = array<i64: 2, 16>, scalar_prefetch = 0 : i64, scratch_operands = 7 : i64, tpu.core_type = #tpu.core_type<sc_vector_subcore>, window_params = [{transform_indices = #map}, {transform_indices = #map1}, {transform_indices = #map1}]} {
    %mul3A = arith.constant 2 : i32
    %mul3A_0 = arith.muli %arg1, %mul3A : i32
    %add3A = arith.addi %mul3A_0, %arg0 : i32
    %mul3A_1 = arith.constant 5120 : i32
    %mul3A_2 = arith.muli %add3A, %mul3A_1 : i32
    "tpu.region"() ({
      %run_scoped3A = tpu.sem_alloc : memref<!tpu.dma_semaphore, #tpu.memory_space<semaphore_mem>>
      %dma_start3A_201 = tpu.memref_slice %arg2[%mul3A_2] : memref<163840xi32, #tpu.memory_space<hbm>> -> memref<5120xi32, #tpu.memory_space<hbm>>
      %dma_start3A_202 = tpu.memref_slice %arg2[%mul3A_2] : memref<163840xi32, #tpu.memory_space<hbm>> -> memref<5120xi32, #tpu.memory_space<hbm>>
      tpu.enqueue_dma source(%dma_start3A_202 : memref<5120xi32, #tpu.memory_space<hbm>>) target(%arg5 : memref<5120xi32, #tpu.memory_space<vmem>>) target_semaphore(%run_scoped3A : memref<!tpu.dma_semaphore, #tpu.memory_space<semaphore_mem>>)
      %dma_wait3A_203 = tpu.memref_slice %arg2[%mul3A_2] : memref<163840xi32, #tpu.memory_space<hbm>> -> memref<5120xi32, #tpu.memory_space<hbm>>
      %dma_wait3A_204 = tpu.memref_slice %arg2[%mul3A_2] : memref<163840xi32, #tpu.memory_space<hbm>> -> memref<5120xi32, #tpu.memory_space<hbm>>
      tpu.wait_dma2 semaphore(%run_scoped3A : memref<!tpu.dma_semaphore, #tpu.memory_space<semaphore_mem>>) src(%dma_wait3A_204 : memref<5120xi32, #tpu.memory_space<hbm>>) dst(%arg5 : memref<5120xi32, #tpu.memory_space<vmem>>)
      tpu.yield
    }) : () -> ()
    %dma_start3A = arith.constant 0 : i32
    %dma_start3A_3 = tpu.memref_slice %arg5[%dma_start3A] : memref<5120xi32, #tpu.memory_space<vmem>> -> memref<512xi32, #tpu.memory_space<vmem>>
    %dma_start3A_4 = arith.constant 0 : i32
    %dma_start3A_5 = arith.constant 0 : i32
    %dma_start3A_6 = tpu.memref_slice %arg3[%dma_start3A_4, %dma_start3A_5] : memref<1000000x64xf32, #tpu.memory_space<hbm>> -> memref<1000000x64xf32, #tpu.memory_space<hbm>>
    tpu.enqueue_indirect_dma source(%dma_start3A_6 : memref<1000000x64xf32, #tpu.memory_space<hbm>>) target(%arg6 : memref<512x64xf32, #tpu.memory_space<vmem>>) offsets(%dma_start3A_3 : memref<512xi32, #tpu.memory_space<vmem>>) semaphore(%arg8 : memref<!tpu.dma_semaphore, #tpu.memory_space<semaphore_mem>>)
    %dma_start3A_7 = arith.constant 512 : i32
    %dma_start3A_8 = tpu.memref_slice %arg5[%dma_start3A_7] : memref<5120xi32, #tpu.memory_space<vmem>> -> memref<512xi32, #tpu.memory_space<vmem>>
    %dma_start3A_9 = arith.constant 0 : i32
    %dma_start3A_10 = arith.constant 0 : i32
    %dma_start3A_11 = tpu.memref_slice %arg3[%dma_start3A_9, %dma_start3A_10] : memref<1000000x64xf32, #tpu.memory_space<hbm>> -> memref<1000000x64xf32, #tpu.memory_space<hbm>>
    tpu.enqueue_indirect_dma source(%dma_start3A_11 : memref<1000000x64xf32, #tpu.memory_space<hbm>>) target(%arg7 : memref<512x64xf32, #tpu.memory_space<vmem>>) offsets(%dma_start3A_8 : memref<512xi32, #tpu.memory_space<vmem>>) semaphore(%arg9 : memref<!tpu.dma_semaphore, #tpu.memory_space<semaphore_mem>>)
    %dma_wait3A = arith.constant 0 : i32
    %dma_wait3A_12 = tpu.memref_slice %arg5[%dma_wait3A] : memref<5120xi32, #tpu.memory_space<vmem>> -> memref<512xi32, #tpu.memory_space<vmem>>
    %dma_wait3A_13 = arith.constant 0 : i32
    %dma_wait3A_14 = arith.constant 0 : i32
    %dma_wait3A_15 = tpu.memref_slice %arg3[%dma_wait3A_13, %dma_wait3A_14] : memref<1000000x64xf32, #tpu.memory_space<hbm>> -> memref<1000000x64xf32, #tpu.memory_space<hbm>>
    tpu.wait_indirect_dma semaphore(%arg8 : memref<!tpu.dma_semaphore, #tpu.memory_space<semaphore_mem>>) src(%dma_wait3A_15 : memref<1000000x64xf32, #tpu.memory_space<hbm>>) dst(%arg6 : memref<512x64xf32, #tpu.memory_space<vmem>>)
    %add3A_16 = arith.constant 0 : i32
    %add3A_17 = arith.addi %mul3A_2, %add3A_16 : i32
    %dma_start3A_18 = arith.constant 0 : i32
    %dma_start3A_19 = tpu.memref_slice %arg4[%add3A_17, %dma_start3A_18] : memref<163840x64xf32, #tpu.memory_space<hbm>> -> memref<512x64xf32, #tpu.memory_space<hbm>>
    %dma_start3A_20 = arith.constant 0 : i32
    %dma_start3A_21 = tpu.memref_slice %arg4[%add3A_17, %dma_start3A_20] : memref<163840x64xf32, #tpu.memory_space<hbm>> -> memref<512x64xf32, #tpu.memory_space<hbm>>
    tpu.enqueue_dma source(%arg6 : memref<512x64xf32, #tpu.memory_space<vmem>>) target(%dma_start3A_21 : memref<512x64xf32, #tpu.memory_space<hbm>>) target_semaphore(%arg10 : memref<!tpu.dma_semaphore, #tpu.memory_space<semaphore_mem>>)
    %dma_wait3A_22 = arith.constant 0 : i32
    %dma_wait3A_23 = tpu.memref_slice %arg4[%add3A_17, %dma_wait3A_22] : memref<163840x64xf32, #tpu.memory_space<hbm>> -> memref<512x64xf32, #tpu.memory_space<hbm>>
    %dma_wait3A_24 = arith.constant 0 : i32
    %dma_wait3A_25 = tpu.memref_slice %arg4[%add3A_17, %dma_wait3A_24] : memref<163840x64xf32, #tpu.memory_space<hbm>> -> memref<512x64xf32, #tpu.memory_space<hbm>>
    tpu.wait_dma2 semaphore(%arg10 : memref<!tpu.dma_semaphore, #tpu.memory_space<semaphore_mem>>) src(%arg6 : memref<512x64xf32, #tpu.memory_space<vmem>>) dst(%dma_wait3A_25 : memref<512x64xf32, #tpu.memory_space<hbm>>)
    %dma_start3A_26 = arith.constant 1024 : i32
    %dma_start3A_27 = tpu.memref_slice %arg5[%dma_start3A_26] : memref<5120xi32, #tpu.memory_space<vmem>> -> memref<512xi32, #tpu.memory_space<vmem>>
    %dma_start3A_28 = arith.constant 0 : i32
    %dma_start3A_29 = arith.constant 0 : i32
    %dma_start3A_30 = tpu.memref_slice %arg3[%dma_start3A_28, %dma_start3A_29] : memref<1000000x64xf32, #tpu.memory_space<hbm>> -> memref<1000000x64xf32, #tpu.memory_space<hbm>>
    tpu.enqueue_indirect_dma source(%dma_start3A_30 : memref<1000000x64xf32, #tpu.memory_space<hbm>>) target(%arg6 : memref<512x64xf32, #tpu.memory_space<vmem>>) offsets(%dma_start3A_27 : memref<512xi32, #tpu.memory_space<vmem>>) semaphore(%arg8 : memref<!tpu.dma_semaphore, #tpu.memory_space<semaphore_mem>>)
    %dma_wait3A_31 = arith.constant 512 : i32
    %dma_wait3A_32 = tpu.memref_slice %arg5[%dma_wait3A_31] : memref<5120xi32, #tpu.memory_space<vmem>> -> memref<512xi32, #tpu.memory_space<vmem>>
    %dma_wait3A_33 = arith.constant 0 : i32
    %dma_wait3A_34 = arith.constant 0 : i32
    %dma_wait3A_35 = tpu.memref_slice %arg3[%dma_wait3A_33, %dma_wait3A_34] : memref<1000000x64xf32, #tpu.memory_space<hbm>> -> memref<1000000x64xf32, #tpu.memory_space<hbm>>
    tpu.wait_indirect_dma semaphore(%arg9 : memref<!tpu.dma_semaphore, #tpu.memory_space<semaphore_mem>>) src(%dma_wait3A_35 : memref<1000000x64xf32, #tpu.memory_space<hbm>>) dst(%arg7 : memref<512x64xf32, #tpu.memory_space<vmem>>)
    %add3A_36 = arith.constant 512 : i32
    %add3A_37 = arith.addi %mul3A_2, %add3A_36 : i32
    %dma_start3A_38 = arith.constant 0 : i32
    %dma_start3A_39 = tpu.memref_slice %arg4[%add3A_37, %dma_start3A_38] : memref<163840x64xf32, #tpu.memory_space<hbm>> -> memref<512x64xf32, #tpu.memory_space<hbm>>
    %dma_start3A_40 = arith.constant 0 : i32
    %dma_start3A_41 = tpu.memref_slice %arg4[%add3A_37, %dma_start3A_40] : memref<163840x64xf32, #tpu.memory_space<hbm>> -> memref<512x64xf32, #tpu.memory_space<hbm>>
    tpu.enqueue_dma source(%arg7 : memref<512x64xf32, #tpu.memory_space<vmem>>) target(%dma_start3A_41 : memref<512x64xf32, #tpu.memory_space<hbm>>) target_semaphore(%arg11 : memref<!tpu.dma_semaphore, #tpu.memory_space<semaphore_mem>>)
    %dma_wait3A_42 = arith.constant 0 : i32
    %dma_wait3A_43 = tpu.memref_slice %arg4[%add3A_37, %dma_wait3A_42] : memref<163840x64xf32, #tpu.memory_space<hbm>> -> memref<512x64xf32, #tpu.memory_space<hbm>>
    %dma_wait3A_44 = arith.constant 0 : i32
    %dma_wait3A_45 = tpu.memref_slice %arg4[%add3A_37, %dma_wait3A_44] : memref<163840x64xf32, #tpu.memory_space<hbm>> -> memref<512x64xf32, #tpu.memory_space<hbm>>
    tpu.wait_dma2 semaphore(%arg11 : memref<!tpu.dma_semaphore, #tpu.memory_space<semaphore_mem>>) src(%arg7 : memref<512x64xf32, #tpu.memory_space<vmem>>) dst(%dma_wait3A_45 : memref<512x64xf32, #tpu.memory_space<hbm>>)
    %dma_start3A_46 = arith.constant 1536 : i32
    %dma_start3A_47 = tpu.memref_slice %arg5[%dma_start3A_46] : memref<5120xi32, #tpu.memory_space<vmem>> -> memref<512xi32, #tpu.memory_space<vmem>>
    %dma_start3A_48 = arith.constant 0 : i32
    %dma_start3A_49 = arith.constant 0 : i32
    %dma_start3A_50 = tpu.memref_slice %arg3[%dma_start3A_48, %dma_start3A_49] : memref<1000000x64xf32, #tpu.memory_space<hbm>> -> memref<1000000x64xf32, #tpu.memory_space<hbm>>
    tpu.enqueue_indirect_dma source(%dma_start3A_50 : memref<1000000x64xf32, #tpu.memory_space<hbm>>) target(%arg7 : memref<512x64xf32, #tpu.memory_space<vmem>>) offsets(%dma_start3A_47 : memref<512xi32, #tpu.memory_space<vmem>>) semaphore(%arg9 : memref<!tpu.dma_semaphore, #tpu.memory_space<semaphore_mem>>)
    %dma_wait3A_51 = arith.constant 1024 : i32
    %dma_wait3A_52 = tpu.memref_slice %arg5[%dma_wait3A_51] : memref<5120xi32, #tpu.memory_space<vmem>> -> memref<512xi32, #tpu.memory_space<vmem>>
    %dma_wait3A_53 = arith.constant 0 : i32
    %dma_wait3A_54 = arith.constant 0 : i32
    %dma_wait3A_55 = tpu.memref_slice %arg3[%dma_wait3A_53, %dma_wait3A_54] : memref<1000000x64xf32, #tpu.memory_space<hbm>> -> memref<1000000x64xf32, #tpu.memory_space<hbm>>
    tpu.wait_indirect_dma semaphore(%arg8 : memref<!tpu.dma_semaphore, #tpu.memory_space<semaphore_mem>>) src(%dma_wait3A_55 : memref<1000000x64xf32, #tpu.memory_space<hbm>>) dst(%arg6 : memref<512x64xf32, #tpu.memory_space<vmem>>)
    %add3A_56 = arith.constant 1024 : i32
    %add3A_57 = arith.addi %mul3A_2, %add3A_56 : i32
    %dma_start3A_58 = arith.constant 0 : i32
    %dma_start3A_59 = tpu.memref_slice %arg4[%add3A_57, %dma_start3A_58] : memref<163840x64xf32, #tpu.memory_space<hbm>> -> memref<512x64xf32, #tpu.memory_space<hbm>>
    %dma_start3A_60 = arith.constant 0 : i32
    %dma_start3A_61 = tpu.memref_slice %arg4[%add3A_57, %dma_start3A_60] : memref<163840x64xf32, #tpu.memory_space<hbm>> -> memref<512x64xf32, #tpu.memory_space<hbm>>
    tpu.enqueue_dma source(%arg6 : memref<512x64xf32, #tpu.memory_space<vmem>>) target(%dma_start3A_61 : memref<512x64xf32, #tpu.memory_space<hbm>>) target_semaphore(%arg10 : memref<!tpu.dma_semaphore, #tpu.memory_space<semaphore_mem>>)
    %dma_wait3A_62 = arith.constant 0 : i32
    %dma_wait3A_63 = tpu.memref_slice %arg4[%add3A_57, %dma_wait3A_62] : memref<163840x64xf32, #tpu.memory_space<hbm>> -> memref<512x64xf32, #tpu.memory_space<hbm>>
    %dma_wait3A_64 = arith.constant 0 : i32
    %dma_wait3A_65 = tpu.memref_slice %arg4[%add3A_57, %dma_wait3A_64] : memref<163840x64xf32, #tpu.memory_space<hbm>> -> memref<512x64xf32, #tpu.memory_space<hbm>>
    tpu.wait_dma2 semaphore(%arg10 : memref<!tpu.dma_semaphore, #tpu.memory_space<semaphore_mem>>) src(%arg6 : memref<512x64xf32, #tpu.memory_space<vmem>>) dst(%dma_wait3A_65 : memref<512x64xf32, #tpu.memory_space<hbm>>)
    %dma_start3A_66 = arith.constant 2048 : i32
    %dma_start3A_67 = tpu.memref_slice %arg5[%dma_start3A_66] : memref<5120xi32, #tpu.memory_space<vmem>> -> memref<512xi32, #tpu.memory_space<vmem>>
    %dma_start3A_68 = arith.constant 0 : i32
    %dma_start3A_69 = arith.constant 0 : i32
    %dma_start3A_70 = tpu.memref_slice %arg3[%dma_start3A_68, %dma_start3A_69] : memref<1000000x64xf32, #tpu.memory_space<hbm>> -> memref<1000000x64xf32, #tpu.memory_space<hbm>>
    tpu.enqueue_indirect_dma source(%dma_start3A_70 : memref<1000000x64xf32, #tpu.memory_space<hbm>>) target(%arg6 : memref<512x64xf32, #tpu.memory_space<vmem>>) offsets(%dma_start3A_67 : memref<512xi32, #tpu.memory_space<vmem>>) semaphore(%arg8 : memref<!tpu.dma_semaphore, #tpu.memory_space<semaphore_mem>>)
    %dma_wait3A_71 = arith.constant 1536 : i32
    %dma_wait3A_72 = tpu.memref_slice %arg5[%dma_wait3A_71] : memref<5120xi32, #tpu.memory_space<vmem>> -> memref<512xi32, #tpu.memory_space<vmem>>
    %dma_wait3A_73 = arith.constant 0 : i32
    %dma_wait3A_74 = arith.constant 0 : i32
    %dma_wait3A_75 = tpu.memref_slice %arg3[%dma_wait3A_73, %dma_wait3A_74] : memref<1000000x64xf32, #tpu.memory_space<hbm>> -> memref<1000000x64xf32, #tpu.memory_space<hbm>>
    tpu.wait_indirect_dma semaphore(%arg9 : memref<!tpu.dma_semaphore, #tpu.memory_space<semaphore_mem>>) src(%dma_wait3A_75 : memref<1000000x64xf32, #tpu.memory_space<hbm>>) dst(%arg7 : memref<512x64xf32, #tpu.memory_space<vmem>>)
    %add3A_76 = arith.constant 1536 : i32
    %add3A_77 = arith.addi %mul3A_2, %add3A_76 : i32
    %dma_start3A_78 = arith.constant 0 : i32
    %dma_start3A_79 = tpu.memref_slice %arg4[%add3A_77, %dma_start3A_78] : memref<163840x64xf32, #tpu.memory_space<hbm>> -> memref<512x64xf32, #tpu.memory_space<hbm>>
    %dma_start3A_80 = arith.constant 0 : i32
    %dma_start3A_81 = tpu.memref_slice %arg4[%add3A_77, %dma_start3A_80] : memref<163840x64xf32, #tpu.memory_space<hbm>> -> memref<512x64xf32, #tpu.memory_space<hbm>>
    tpu.enqueue_dma source(%arg7 : memref<512x64xf32, #tpu.memory_space<vmem>>) target(%dma_start3A_81 : memref<512x64xf32, #tpu.memory_space<hbm>>) target_semaphore(%arg11 : memref<!tpu.dma_semaphore, #tpu.memory_space<semaphore_mem>>)
    %dma_wait3A_82 = arith.constant 0 : i32
    %dma_wait3A_83 = tpu.memref_slice %arg4[%add3A_77, %dma_wait3A_82] : memref<163840x64xf32, #tpu.memory_space<hbm>> -> memref<512x64xf32, #tpu.memory_space<hbm>>
    %dma_wait3A_84 = arith.constant 0 : i32
    %dma_wait3A_85 = tpu.memref_slice %arg4[%add3A_77, %dma_wait3A_84] : memref<163840x64xf32, #tpu.memory_space<hbm>> -> memref<512x64xf32, #tpu.memory_space<hbm>>
    tpu.wait_dma2 semaphore(%arg11 : memref<!tpu.dma_semaphore, #tpu.memory_space<semaphore_mem>>) src(%arg7 : memref<512x64xf32, #tpu.memory_space<vmem>>) dst(%dma_wait3A_85 : memref<512x64xf32, #tpu.memory_space<hbm>>)
    %dma_start3A_86 = arith.constant 2560 : i32
    %dma_start3A_87 = tpu.memref_slice %arg5[%dma_start3A_86] : memref<5120xi32, #tpu.memory_space<vmem>> -> memref<512xi32, #tpu.memory_space<vmem>>
    %dma_start3A_88 = arith.constant 0 : i32
    %dma_start3A_89 = arith.constant 0 : i32
    %dma_start3A_90 = tpu.memref_slice %arg3[%dma_start3A_88, %dma_start3A_89] : memref<1000000x64xf32, #tpu.memory_space<hbm>> -> memref<1000000x64xf32, #tpu.memory_space<hbm>>
    tpu.enqueue_indirect_dma source(%dma_start3A_90 : memref<1000000x64xf32, #tpu.memory_space<hbm>>) target(%arg7 : memref<512x64xf32, #tpu.memory_space<vmem>>) offsets(%dma_start3A_87 : memref<512xi32, #tpu.memory_space<vmem>>) semaphore(%arg9 : memref<!tpu.dma_semaphore, #tpu.memory_space<semaphore_mem>>)
    %dma_wait3A_91 = arith.constant 2048 : i32
    %dma_wait3A_92 = tpu.memref_slice %arg5[%dma_wait3A_91] : memref<5120xi32, #tpu.memory_space<vmem>> -> memref<512xi32, #tpu.memory_space<vmem>>
    %dma_wait3A_93 = arith.constant 0 : i32
    %dma_wait3A_94 = arith.constant 0 : i32
    %dma_wait3A_95 = tpu.memref_slice %arg3[%dma_wait3A_93, %dma_wait3A_94] : memref<1000000x64xf32, #tpu.memory_space<hbm>> -> memref<1000000x64xf32, #tpu.memory_space<hbm>>
    tpu.wait_indirect_dma semaphore(%arg8 : memref<!tpu.dma_semaphore, #tpu.memory_space<semaphore_mem>>) src(%dma_wait3A_95 : memref<1000000x64xf32, #tpu.memory_space<hbm>>) dst(%arg6 : memref<512x64xf32, #tpu.memory_space<vmem>>)
    %add3A_96 = arith.constant 2048 : i32
    %add3A_97 = arith.addi %mul3A_2, %add3A_96 : i32
    %dma_start3A_98 = arith.constant 0 : i32
    %dma_start3A_99 = tpu.memref_slice %arg4[%add3A_97, %dma_start3A_98] : memref<163840x64xf32, #tpu.memory_space<hbm>> -> memref<512x64xf32, #tpu.memory_space<hbm>>
    %dma_start3A_100 = arith.constant 0 : i32
    %dma_start3A_101 = tpu.memref_slice %arg4[%add3A_97, %dma_start3A_100] : memref<163840x64xf32, #tpu.memory_space<hbm>> -> memref<512x64xf32, #tpu.memory_space<hbm>>
    tpu.enqueue_dma source(%arg6 : memref<512x64xf32, #tpu.memory_space<vmem>>) target(%dma_start3A_101 : memref<512x64xf32, #tpu.memory_space<hbm>>) target_semaphore(%arg10 : memref<!tpu.dma_semaphore, #tpu.memory_space<semaphore_mem>>)
    %dma_wait3A_102 = arith.constant 0 : i32
    %dma_wait3A_103 = tpu.memref_slice %arg4[%add3A_97, %dma_wait3A_102] : memref<163840x64xf32, #tpu.memory_space<hbm>> -> memref<512x64xf32, #tpu.memory_space<hbm>>
    %dma_wait3A_104 = arith.constant 0 : i32
    %dma_wait3A_105 = tpu.memref_slice %arg4[%add3A_97, %dma_wait3A_104] : memref<163840x64xf32, #tpu.memory_space<hbm>> -> memref<512x64xf32, #tpu.memory_space<hbm>>
    tpu.wait_dma2 semaphore(%arg10 : memref<!tpu.dma_semaphore, #tpu.memory_space<semaphore_mem>>) src(%arg6 : memref<512x64xf32, #tpu.memory_space<vmem>>) dst(%dma_wait3A_105 : memref<512x64xf32, #tpu.memory_space<hbm>>)
    %dma_start3A_106 = arith.constant 3072 : i32
    %dma_start3A_107 = tpu.memref_slice %arg5[%dma_start3A_106] : memref<5120xi32, #tpu.memory_space<vmem>> -> memref<512xi32, #tpu.memory_space<vmem>>
    %dma_start3A_108 = arith.constant 0 : i32
    %dma_start3A_109 = arith.constant 0 : i32
    %dma_start3A_110 = tpu.memref_slice %arg3[%dma_start3A_108, %dma_start3A_109] : memref<1000000x64xf32, #tpu.memory_space<hbm>> -> memref<1000000x64xf32, #tpu.memory_space<hbm>>
    tpu.enqueue_indirect_dma source(%dma_start3A_110 : memref<1000000x64xf32, #tpu.memory_space<hbm>>) target(%arg6 : memref<512x64xf32, #tpu.memory_space<vmem>>) offsets(%dma_start3A_107 : memref<512xi32, #tpu.memory_space<vmem>>) semaphore(%arg8 : memref<!tpu.dma_semaphore, #tpu.memory_space<semaphore_mem>>)
    %dma_wait3A_111 = arith.constant 2560 : i32
    %dma_wait3A_112 = tpu.memref_slice %arg5[%dma_wait3A_111] : memref<5120xi32, #tpu.memory_space<vmem>> -> memref<512xi32, #tpu.memory_space<vmem>>
    %dma_wait3A_113 = arith.constant 0 : i32
    %dma_wait3A_114 = arith.constant 0 : i32
    %dma_wait3A_115 = tpu.memref_slice %arg3[%dma_wait3A_113, %dma_wait3A_114] : memref<1000000x64xf32, #tpu.memory_space<hbm>> -> memref<1000000x64xf32, #tpu.memory_space<hbm>>
    tpu.wait_indirect_dma semaphore(%arg9 : memref<!tpu.dma_semaphore, #tpu.memory_space<semaphore_mem>>) src(%dma_wait3A_115 : memref<1000000x64xf32, #tpu.memory_space<hbm>>) dst(%arg7 : memref<512x64xf32, #tpu.memory_space<vmem>>)
    %add3A_116 = arith.constant 2560 : i32
    %add3A_117 = arith.addi %mul3A_2, %add3A_116 : i32
    %dma_start3A_118 = arith.constant 0 : i32
    %dma_start3A_119 = tpu.memref_slice %arg4[%add3A_117, %dma_start3A_118] : memref<163840x64xf32, #tpu.memory_space<hbm>> -> memref<512x64xf32, #tpu.memory_space<hbm>>
    %dma_start3A_120 = arith.constant 0 : i32
    %dma_start3A_121 = tpu.memref_slice %arg4[%add3A_117, %dma_start3A_120] : memref<163840x64xf32, #tpu.memory_space<hbm>> -> memref<512x64xf32, #tpu.memory_space<hbm>>
    tpu.enqueue_dma source(%arg7 : memref<512x64xf32, #tpu.memory_space<vmem>>) target(%dma_start3A_121 : memref<512x64xf32, #tpu.memory_space<hbm>>) target_semaphore(%arg11 : memref<!tpu.dma_semaphore, #tpu.memory_space<semaphore_mem>>)
    %dma_wait3A_122 = arith.constant 0 : i32
    %dma_wait3A_123 = tpu.memref_slice %arg4[%add3A_117, %dma_wait3A_122] : memref<163840x64xf32, #tpu.memory_space<hbm>> -> memref<512x64xf32, #tpu.memory_space<hbm>>
    %dma_wait3A_124 = arith.constant 0 : i32
    %dma_wait3A_125 = tpu.memref_slice %arg4[%add3A_117, %dma_wait3A_124] : memref<163840x64xf32, #tpu.memory_space<hbm>> -> memref<512x64xf32, #tpu.memory_space<hbm>>
    tpu.wait_dma2 semaphore(%arg11 : memref<!tpu.dma_semaphore, #tpu.memory_space<semaphore_mem>>) src(%arg7 : memref<512x64xf32, #tpu.memory_space<vmem>>) dst(%dma_wait3A_125 : memref<512x64xf32, #tpu.memory_space<hbm>>)
    %dma_start3A_126 = arith.constant 3584 : i32
    %dma_start3A_127 = tpu.memref_slice %arg5[%dma_start3A_126] : memref<5120xi32, #tpu.memory_space<vmem>> -> memref<512xi32, #tpu.memory_space<vmem>>
    %dma_start3A_128 = arith.constant 0 : i32
    %dma_start3A_129 = arith.constant 0 : i32
    %dma_start3A_130 = tpu.memref_slice %arg3[%dma_start3A_128, %dma_start3A_129] : memref<1000000x64xf32, #tpu.memory_space<hbm>> -> memref<1000000x64xf32, #tpu.memory_space<hbm>>
    tpu.enqueue_indirect_dma source(%dma_start3A_130 : memref<1000000x64xf32, #tpu.memory_space<hbm>>) target(%arg7 : memref<512x64xf32, #tpu.memory_space<vmem>>) offsets(%dma_start3A_127 : memref<512xi32, #tpu.memory_space<vmem>>) semaphore(%arg9 : memref<!tpu.dma_semaphore, #tpu.memory_space<semaphore_mem>>)
    %dma_wait3A_131 = arith.constant 3072 : i32
    %dma_wait3A_132 = tpu.memref_slice %arg5[%dma_wait3A_131] : memref<5120xi32, #tpu.memory_space<vmem>> -> memref<512xi32, #tpu.memory_space<vmem>>
    %dma_wait3A_133 = arith.constant 0 : i32
    %dma_wait3A_134 = arith.constant 0 : i32
    %dma_wait3A_135 = tpu.memref_slice %arg3[%dma_wait3A_133, %dma_wait3A_134] : memref<1000000x64xf32, #tpu.memory_space<hbm>> -> memref<1000000x64xf32, #tpu.memory_space<hbm>>
    tpu.wait_indirect_dma semaphore(%arg8 : memref<!tpu.dma_semaphore, #tpu.memory_space<semaphore_mem>>) src(%dma_wait3A_135 : memref<1000000x64xf32, #tpu.memory_space<hbm>>) dst(%arg6 : memref<512x64xf32, #tpu.memory_space<vmem>>)
    %add3A_136 = arith.constant 3072 : i32
    %add3A_137 = arith.addi %mul3A_2, %add3A_136 : i32
    %dma_start3A_138 = arith.constant 0 : i32
    %dma_start3A_139 = tpu.memref_slice %arg4[%add3A_137, %dma_start3A_138] : memref<163840x64xf32, #tpu.memory_space<hbm>> -> memref<512x64xf32, #tpu.memory_space<hbm>>
    %dma_start3A_140 = arith.constant 0 : i32
    %dma_start3A_141 = tpu.memref_slice %arg4[%add3A_137, %dma_start3A_140] : memref<163840x64xf32, #tpu.memory_space<hbm>> -> memref<512x64xf32, #tpu.memory_space<hbm>>
    tpu.enqueue_dma source(%arg6 : memref<512x64xf32, #tpu.memory_space<vmem>>) target(%dma_start3A_141 : memref<512x64xf32, #tpu.memory_space<hbm>>) target_semaphore(%arg10 : memref<!tpu.dma_semaphore, #tpu.memory_space<semaphore_mem>>)
    %dma_wait3A_142 = arith.constant 0 : i32
    %dma_wait3A_143 = tpu.memref_slice %arg4[%add3A_137, %dma_wait3A_142] : memref<163840x64xf32, #tpu.memory_space<hbm>> -> memref<512x64xf32, #tpu.memory_space<hbm>>
    %dma_wait3A_144 = arith.constant 0 : i32
    %dma_wait3A_145 = tpu.memref_slice %arg4[%add3A_137, %dma_wait3A_144] : memref<163840x64xf32, #tpu.memory_space<hbm>> -> memref<512x64xf32, #tpu.memory_space<hbm>>
    tpu.wait_dma2 semaphore(%arg10 : memref<!tpu.dma_semaphore, #tpu.memory_space<semaphore_mem>>) src(%arg6 : memref<512x64xf32, #tpu.memory_space<vmem>>) dst(%dma_wait3A_145 : memref<512x64xf32, #tpu.memory_space<hbm>>)
    %dma_start3A_146 = arith.constant 4096 : i32
    %dma_start3A_147 = tpu.memref_slice %arg5[%dma_start3A_146] : memref<5120xi32, #tpu.memory_space<vmem>> -> memref<512xi32, #tpu.memory_space<vmem>>
    %dma_start3A_148 = arith.constant 0 : i32
    %dma_start3A_149 = arith.constant 0 : i32
    %dma_start3A_150 = tpu.memref_slice %arg3[%dma_start3A_148, %dma_start3A_149] : memref<1000000x64xf32, #tpu.memory_space<hbm>> -> memref<1000000x64xf32, #tpu.memory_space<hbm>>
    tpu.enqueue_indirect_dma source(%dma_start3A_150 : memref<1000000x64xf32, #tpu.memory_space<hbm>>) target(%arg6 : memref<512x64xf32, #tpu.memory_space<vmem>>) offsets(%dma_start3A_147 : memref<512xi32, #tpu.memory_space<vmem>>) semaphore(%arg8 : memref<!tpu.dma_semaphore, #tpu.memory_space<semaphore_mem>>)
    %dma_wait3A_151 = arith.constant 3584 : i32
    %dma_wait3A_152 = tpu.memref_slice %arg5[%dma_wait3A_151] : memref<5120xi32, #tpu.memory_space<vmem>> -> memref<512xi32, #tpu.memory_space<vmem>>
    %dma_wait3A_153 = arith.constant 0 : i32
    %dma_wait3A_154 = arith.constant 0 : i32
    %dma_wait3A_155 = tpu.memref_slice %arg3[%dma_wait3A_153, %dma_wait3A_154] : memref<1000000x64xf32, #tpu.memory_space<hbm>> -> memref<1000000x64xf32, #tpu.memory_space<hbm>>
    tpu.wait_indirect_dma semaphore(%arg9 : memref<!tpu.dma_semaphore, #tpu.memory_space<semaphore_mem>>) src(%dma_wait3A_155 : memref<1000000x64xf32, #tpu.memory_space<hbm>>) dst(%arg7 : memref<512x64xf32, #tpu.memory_space<vmem>>)
    %add3A_156 = arith.constant 3584 : i32
    %add3A_157 = arith.addi %mul3A_2, %add3A_156 : i32
    %dma_start3A_158 = arith.constant 0 : i32
    %dma_start3A_159 = tpu.memref_slice %arg4[%add3A_157, %dma_start3A_158] : memref<163840x64xf32, #tpu.memory_space<hbm>> -> memref<512x64xf32, #tpu.memory_space<hbm>>
    %dma_start3A_160 = arith.constant 0 : i32
    %dma_start3A_161 = tpu.memref_slice %arg4[%add3A_157, %dma_start3A_160] : memref<163840x64xf32, #tpu.memory_space<hbm>> -> memref<512x64xf32, #tpu.memory_space<hbm>>
    tpu.enqueue_dma source(%arg7 : memref<512x64xf32, #tpu.memory_space<vmem>>) target(%dma_start3A_161 : memref<512x64xf32, #tpu.memory_space<hbm>>) target_semaphore(%arg11 : memref<!tpu.dma_semaphore, #tpu.memory_space<semaphore_mem>>)
    %dma_wait3A_162 = arith.constant 0 : i32
    %dma_wait3A_163 = tpu.memref_slice %arg4[%add3A_157, %dma_wait3A_162] : memref<163840x64xf32, #tpu.memory_space<hbm>> -> memref<512x64xf32, #tpu.memory_space<hbm>>
    %dma_wait3A_164 = arith.constant 0 : i32
    %dma_wait3A_165 = tpu.memref_slice %arg4[%add3A_157, %dma_wait3A_164] : memref<163840x64xf32, #tpu.memory_space<hbm>> -> memref<512x64xf32, #tpu.memory_space<hbm>>
    tpu.wait_dma2 semaphore(%arg11 : memref<!tpu.dma_semaphore, #tpu.memory_space<semaphore_mem>>) src(%arg7 : memref<512x64xf32, #tpu.memory_space<vmem>>) dst(%dma_wait3A_165 : memref<512x64xf32, #tpu.memory_space<hbm>>)
    %dma_start3A_166 = arith.constant 4608 : i32
    %dma_start3A_167 = tpu.memref_slice %arg5[%dma_start3A_166] : memref<5120xi32, #tpu.memory_space<vmem>> -> memref<512xi32, #tpu.memory_space<vmem>>
    %dma_start3A_168 = arith.constant 0 : i32
    %dma_start3A_169 = arith.constant 0 : i32
    %dma_start3A_170 = tpu.memref_slice %arg3[%dma_start3A_168, %dma_start3A_169] : memref<1000000x64xf32, #tpu.memory_space<hbm>> -> memref<1000000x64xf32, #tpu.memory_space<hbm>>
    tpu.enqueue_indirect_dma source(%dma_start3A_170 : memref<1000000x64xf32, #tpu.memory_space<hbm>>) target(%arg7 : memref<512x64xf32, #tpu.memory_space<vmem>>) offsets(%dma_start3A_167 : memref<512xi32, #tpu.memory_space<vmem>>) semaphore(%arg9 : memref<!tpu.dma_semaphore, #tpu.memory_space<semaphore_mem>>)
    %dma_wait3A_171 = arith.constant 4096 : i32
    %dma_wait3A_172 = tpu.memref_slice %arg5[%dma_wait3A_171] : memref<5120xi32, #tpu.memory_space<vmem>> -> memref<512xi32, #tpu.memory_space<vmem>>
    %dma_wait3A_173 = arith.constant 0 : i32
    %dma_wait3A_174 = arith.constant 0 : i32
    %dma_wait3A_175 = tpu.memref_slice %arg3[%dma_wait3A_173, %dma_wait3A_174] : memref<1000000x64xf32, #tpu.memory_space<hbm>> -> memref<1000000x64xf32, #tpu.memory_space<hbm>>
    tpu.wait_indirect_dma semaphore(%arg8 : memref<!tpu.dma_semaphore, #tpu.memory_space<semaphore_mem>>) src(%dma_wait3A_175 : memref<1000000x64xf32, #tpu.memory_space<hbm>>) dst(%arg6 : memref<512x64xf32, #tpu.memory_space<vmem>>)
    %add3A_176 = arith.constant 4096 : i32
    %add3A_177 = arith.addi %mul3A_2, %add3A_176 : i32
    %dma_start3A_178 = arith.constant 0 : i32
    %dma_start3A_179 = tpu.memref_slice %arg4[%add3A_177, %dma_start3A_178] : memref<163840x64xf32, #tpu.memory_space<hbm>> -> memref<512x64xf32, #tpu.memory_space<hbm>>
    %dma_start3A_180 = arith.constant 0 : i32
    %dma_start3A_181 = tpu.memref_slice %arg4[%add3A_177, %dma_start3A_180] : memref<163840x64xf32, #tpu.memory_space<hbm>> -> memref<512x64xf32, #tpu.memory_space<hbm>>
    tpu.enqueue_dma source(%arg6 : memref<512x64xf32, #tpu.memory_space<vmem>>) target(%dma_start3A_181 : memref<512x64xf32, #tpu.memory_space<hbm>>) target_semaphore(%arg10 : memref<!tpu.dma_semaphore, #tpu.memory_space<semaphore_mem>>)
    %dma_wait3A_182 = arith.constant 4608 : i32
    %dma_wait3A_183 = tpu.memref_slice %arg5[%dma_wait3A_182] : memref<5120xi32, #tpu.memory_space<vmem>> -> memref<512xi32, #tpu.memory_space<vmem>>
    %dma_wait3A_184 = arith.constant 0 : i32
    %dma_wait3A_185 = arith.constant 0 : i32
    %dma_wait3A_186 = tpu.memref_slice %arg3[%dma_wait3A_184, %dma_wait3A_185] : memref<1000000x64xf32, #tpu.memory_space<hbm>> -> memref<1000000x64xf32, #tpu.memory_space<hbm>>
    tpu.wait_indirect_dma semaphore(%arg9 : memref<!tpu.dma_semaphore, #tpu.memory_space<semaphore_mem>>) src(%dma_wait3A_186 : memref<1000000x64xf32, #tpu.memory_space<hbm>>) dst(%arg7 : memref<512x64xf32, #tpu.memory_space<vmem>>)
    %add3A_187 = arith.constant 4608 : i32
    %add3A_188 = arith.addi %mul3A_2, %add3A_187 : i32
    %dma_start3A_189 = arith.constant 0 : i32
    %dma_start3A_190 = tpu.memref_slice %arg4[%add3A_188, %dma_start3A_189] : memref<163840x64xf32, #tpu.memory_space<hbm>> -> memref<512x64xf32, #tpu.memory_space<hbm>>
    %dma_start3A_191 = arith.constant 0 : i32
    %dma_start3A_192 = tpu.memref_slice %arg4[%add3A_188, %dma_start3A_191] : memref<163840x64xf32, #tpu.memory_space<hbm>> -> memref<512x64xf32, #tpu.memory_space<hbm>>
    tpu.enqueue_dma source(%arg7 : memref<512x64xf32, #tpu.memory_space<vmem>>) target(%dma_start3A_192 : memref<512x64xf32, #tpu.memory_space<hbm>>) target_semaphore(%arg11 : memref<!tpu.dma_semaphore, #tpu.memory_space<semaphore_mem>>)
    %dma_wait3A_193 = arith.constant 0 : i32
    %dma_wait3A_194 = tpu.memref_slice %arg4[%add3A_177, %dma_wait3A_193] : memref<163840x64xf32, #tpu.memory_space<hbm>> -> memref<512x64xf32, #tpu.memory_space<hbm>>
    %dma_wait3A_195 = arith.constant 0 : i32
    %dma_wait3A_196 = tpu.memref_slice %arg4[%add3A_177, %dma_wait3A_195] : memref<163840x64xf32, #tpu.memory_space<hbm>> -> memref<512x64xf32, #tpu.memory_space<hbm>>
    tpu.wait_dma2 semaphore(%arg10 : memref<!tpu.dma_semaphore, #tpu.memory_space<semaphore_mem>>) src(%arg6 : memref<512x64xf32, #tpu.memory_space<vmem>>) dst(%dma_wait3A_196 : memref<512x64xf32, #tpu.memory_space<hbm>>)
    %dma_wait3A_197 = arith.constant 0 : i32
    %dma_wait3A_198 = tpu.memref_slice %arg4[%add3A_188, %dma_wait3A_197] : memref<163840x64xf32, #tpu.memory_space<hbm>> -> memref<512x64xf32, #tpu.memory_space<hbm>>
    %dma_wait3A_199 = arith.constant 0 : i32
    %dma_wait3A_200 = tpu.memref_slice %arg4[%add3A_188, %dma_wait3A_199] : memref<163840x64xf32, #tpu.memory_space<hbm>> -> memref<512x64xf32, #tpu.memory_space<hbm>>
    tpu.wait_dma2 semaphore(%arg11 : memref<!tpu.dma_semaphore, #tpu.memory_space<semaphore_mem>>) src(%arg7 : memref<512x64xf32, #tpu.memory_space<vmem>>) dst(%dma_wait3A_200 : memref<512x64xf32, #tpu.memory_space<hbm>>)
    return
  }
}

</mosaic_0001>

<sc_bundles>
// kernel: kernel.3.cloned.1.call-start
scs
__scs_entry_jumppad:
0x0: {  	(pc) =	sbr.rel $0x88, $3  }
0x1: {  	(tag) =	ssettag $0x0;
	lr =	simm.s32 $0x1  }
0x2: {  	[smem:$0x3F9F] =	sst lr;
	_ =	strace $0xD0000000  }
0x3: {  	_ = 	snop  }
0x4: {  	_ = 	snop  }
0x5: {  	_ = 	snop  }
0x6: {  	_ = 	snop  }
0x7: {  	_ = 	snop  }
__scs_overlays_trampoline_lowered:
0x8: {  	[smem:$0x3FAE] =	sst s0  }
0x9: {  	[smem:$0x3FAF] =	sst s1  }
0xa: {  	[smem:$0x3FB0] =	sst s2  }
0xb: {  	[smem:$0x3FB1] =	sst s3  }
0xc: {  	[smem:$0x3FB2] =	sst s4  }
0xd: {  	[smem:$0x3FB3] =	sst s5  }
0xe: {  	[smem:$0x3FB4] =	sst s6  }
0xf: {  	[smem:$0x3FB5] =	sst s7  }
0x10: {  	[smem:$0x3FB6] =	sst s8  }
0x11: {  	[smem:$0x3FB7] =	sst s9;
	s0 =	simm.s32 @!p0 $0x0  }
0x12: {  	s1 =	sld [smem:$0x3F9D];
	s0 =	simm.s32 @p0 $0x1  }
0x13: {  	[smem:$0x3FB8] =	sst s0;
	s0 =	simm.s32 @!p1 $0x0  }
0x14: {  	s2 =	sld [smem:$0x3F9C];
	s0 =	simm.s32 @p1 $0x1  }
0x15: {  	[smem:$0x3FB9] =	sst s0;
	s0 =	simm.s32 @!p2 $0x0  }
0x16: {  	s3 =	sld [smem:$0x3FDB];
	s0 =	simm.s32 @p2 $0x1  }
0x17: {  	s4 =	simm.s32 $0x1BF5;
	[smem:$0x3FBB] =	sst s0  }
0x18: {  	s0 =	sld [smem:$0x3F9E];
	_ =	swait.ge [sflag:s4], $0x0  }
0x19: {  	s7 =	sld [smem:$0x3F9F]  }
0x1a: {  	s8 =	sadd.s32 $0xFFFFE003, lr  }
0x1b: {  	s9 =	sadd.s32 $0xFFFFFEF7, lr;
	s5 =	simm.s32 $0xFFFFFFFF;
	p2 =	slt.u32 s8, $0xFFFFF086  }
0x1c: {  	p1 =	slt.u32 s9, $0xF7A;
	s5 =	simm.s32 @!p2 $0x0  }
0x1d: {  	s5 =	simm.s32 @p1 $0x1;
	p0 =	seq.s32 s7, s2  }
0x1e: {  	s7 =	smul.u32 @!p0 $0xF7A, s2;
	p2 =	seq.s32 @!p0 s5, $0x0  }
0x1f: {  	s9 =	smul.u32 $0xF7A, s1;
	s8 =	simm.s32 @!p0 $0x1BF5;
	p2 =	por !p2, p0  }
0x20: {  	[sflag:s8] =	ssyncset.s32 @!p0 $0xFFFFF086;
	s6 =	sadd.s32 @!p0 s3, s7;
	s7 =	simm.s32 @!p0 $0x108  }
0x21: {  	s3 =	sadd.s32 s3, s9;
	s6 =	sadd.s32 @!p0 $0x88, s6;
	s7 =	simm.s32 @p2 $0x1082  }
0x22: {  	[simem:s7], [sflag:s8] =	dma.local @!p0 [hbm:s6], $0xF7A  }
0x23: {  	s9 =	sor.u32 $0xD0000000, s2;
	s6 =	simm.s32 $0x108;
	_ =	swait.ge @!p0 [sflag:s8], $0x0  }
0x24: {  	s3 =	sadd.s32 $0x88, s3;
	s6 =	simm.s32 @!p1 $0x1082;
	[sflag:s4] =	ssyncset.s32 $0xFFFFF086  }
0x25: {  	[simem:s6], [sflag:s4] =	dma.local [hbm:s3], $0xF7A  }
0x26: {  	[smem:$0x3F9F] =	sst s1;
	(tag) =	ssettag s2;
	_ =	strace s9  }
0x27: {  	s1 =	sld [smem:$0x3FAF]  }
0x28: {  	s2 =	sld [smem:$0x3FB0]  }
0x29: {  	s4 =	sld [smem:$0x3FB2]  }
0x2a: {  	p0 =	seq.s32 s5, $0x0;
	s5 =	sld [smem:$0x3FB3]  }
0x2b: {  	s6 =	sld [smem:$0x3FB4]  }
0x2c: {  	s7 =	sld [smem:$0x3FB5]  }
0x2d: {  	s3 =	simm.s32 $0x108;
	s8 =	sld [smem:$0x3FB6]  }
0x2e: {  	s3 =	simm.s32 @!p0 $0x1082;
	s9 =	sld [smem:$0x3FB7]  }
0x2f: {  	lr =	sadd.s32 s0, s3;
	s0 =	sld [smem:$0x3FAE]  }
0x30: {  	s3 =	sld [smem:$0x3FB1]  }
0x31: {  	[smem:$0x3FBA] =	sst s10  }
0x32: {  	s10 =	sld [smem:$0x3FB8];
	_ =	sdelay $0x3  }
0x33: {  	p0 =	seq.s32 s10, $0x1;
	s10 =	sld [smem:$0x3FBA];
	_ =	sdelay $0x3  }
0x34: {  	[smem:$0x3FBA] =	sst s10  }
0x35: {  	s10 =	sld [smem:$0x3FB9];
	_ =	sdelay $0x3  }
0x36: {  	p1 =	seq.s32 s10, $0x1;
	s10 =	sld [smem:$0x3FBA];
	_ =	sdelay $0x3  }
0x37: {  	[smem:$0x3FBA] =	sst s10  }
0x38: {  	s10 =	sld [smem:$0x3FBB]  }
0x39: {  	_ = 	snop;
	(pc) =	sbr.ind lr, $3  }
0x3a: {  	_ = 	snop  }
0x3b: {  	_ = 	snop  }
0x3c: {  	p2 =	seq.s32 s10, $0x1;
	s10 =	sld [smem:$0x3FBA]  }
0x3d: {  	_ =	shalt  }
0x3e: {  	_ =	shalt  }
0x3f: {  	_ =	shalt  }
0x40: {  	_ =	shalt  }
0x41: {  	_ =	shalt  }
0x42: {  	_ =	shalt  }
0x43: {  	_ =	shalt  }
0x44: {  	_ =	shalt  }
0x45: {  	_ =	shalt  }
0x46: {  	_ =	shalt  }
0x47: {  	_ =	shalt  }
0x48: {  	_ =	shalt  }
0x49: {  	_ =	shalt  }
0x4a: {  	_ =	shalt  }
0x4b: {  	_ =	shalt  }
0x4c: {  	_ =	shalt  }
0x4d: {  	_ =	shalt  }
0x4e: {  	_ =	shalt  }
0x4f: {  	_ =	shalt  }
0x50: {  	_ =	shalt  }
0x51: {  	_ =	shalt  }
0x52: {  	_ =	shalt  }
0x53: {  	_ =	shalt  }
0x54: {  	_ =	shalt  }
0x55: {  	_ =	shalt  }
0x56: {  	_ =	shalt  }
0x57: {  	_ =	shalt  }
0x58: {  	_ =	shalt  }
0x59: {  	_ =	shalt  }
0x5a: {  	_ =	shalt  }
0x5b: {  	_ =	shalt  }
0x5c: {  	_ =	shalt  }
0x5d: {  	_ =	shalt  }
0x5e: {  	_ =	shalt  }
0x5f: {  	_ =	shalt  }
0x60: {  	_ =	shalt  }
0x61: {  	_ =	shalt  }
0x62: {  	_ =	shalt  }
0x63: {  	_ =	shalt  }
0x64: {  	_ =	shalt  }
0x65: {  	_ =	shalt  }
0x66: {  	_ =	shalt  }
0x67: {  	_ =	shalt  }
0x68: {  	_ =	shalt  }
0x69: {  	_ =	shalt  }
0x6a: {  	_ =	shalt  }
0x6b: {  	_ =	shalt  }
0x6c: {  	_ =	shalt  }
0x6d: {  	_ =	shalt  }
0x6e: {  	_ =	shalt  }
0x6f: {  	_ =	shalt  }
0x70: {  	_ =	shalt  }
0x71: {  	_ =	shalt  }
0x72: {  	_ =	shalt  }
0x73: {  	_ =	shalt  }
0x74: {  	_ =	shalt  }
0x75: {  	_ =	shalt  }
0x76: {  	_ =	shalt  }
0x77: {  	_ =	shalt  }
0x78: {  	_ =	shalt  }
0x79: {  	_ =	shalt  }
0x7a: {  	_ =	shalt  }
0x7b: {  	_ =	shalt  }
0x7c: {  	_ =	shalt  }
0x7d: {  	_ =	shalt  }
0x7e: {  	_ =	shalt  }
0x7f: {  	_ =	shalt  }
0x80: {  	_ =	shalt  }
0x81: {  	_ =	shalt  }
0x82: {  	_ =	shalt  }
0x83: {  	_ =	shalt  }
0x84: {  	_ =	shalt  }
0x85: {  	_ =	shalt  }
0x86: {  	_ =	shalt  }
0x87: {  	_ =	shalt  }
.Lfunc_end0:
.L_simem_size_0:
called_computation_lowered:
.L_overlay_start_0:
0x88: {  	s2 =	sld [smem:$0x3FD9]  }
0x89: {  	s3 =	sld [smem:$0x3FFE];
	_ =	sdelay $0x1  }
0x8a: {  	s1 =	srdreg.scid  }
0x8b: {  	s0 =	sand.u32 $0x1, s1  }
0x8c: {  	s17 =	sshll.u32 s0, $0xA;
	s2 =	sadd.s32 s3, s2  }
0x8d: {  	s2 =	sadd.s32 s2, s17  }
0x8e: {  	[smem:$0x3FC6] =	sst s2  }
0x8f: {  	_ = 	snop  }
0x90: {  	s2 =	sld [smem:$0x3FD0];
	(tm) =	ssettm $0x1  }
0x91: {  	s18 =	sld [smem:$0x3FFB];
	_ =	sdelay $0x3  }
0x92: {  	_ =	strace s18  }
0x93: {  	s3 =	sld [smem:$0x3FFC];
	_ =	sdelay $0x3  }
0x94: {  	_ =	strace s3  }
0x95: {  	s3 =	sld [smem:$0x3FFD];
	_ =	sdelay $0x3  }
0x96: {  	_ =	strace s3  }
0x97: {  	_ =	strace $0x8FFFFFFF  }
0x98: {  	s19 =	sld [smem:$0x3FDB];
	_ =	sdelay $0x1  }
0x99: {  	s4 =	simm.s32 $_scs_section_size  }
0x9a: {  	s5 =	simm.s32 $_size__tile_overlayer_lowered;
	s6 =	simm.s32 $_tile_overlayer_lowered  }
0x9b: {  	s22 =	simm.s32 $0x1BFF;
	s21 =	sshll.u32 s6, $0x1;
	s3 =	sadd.s32 s4, s19  }
0x9c: {  	s7 =	simm.s32 $0x0;
	s20 =	sshll.u32 s5, $0x1;
	s5 =	sadd.s32 s21, s3  }
0x9d: {  	[timem:s7], [sflag:s22] =	dma.local [hbm:s5], s20  }
0x9e: {  	_ =	swait.ge [sflag:s22], s20  }
0x9f: {  	s4 =	ssub.s32 $0x0, s20;
	[sflag:s22] =	ssyncset.done $0x0  }
0xa0: {  	[sflag:s22] =	ssyncadd.s32 s4;
	_ =	sdelay $0x1  }
0xa1: {  	s23 =	simm.s32 $0x1B8B  }
0xa2: {  	_ =	swait.ge [sflag:s23], $0x1  }
0xa3: {  	[sflag:s23] =	ssyncset.done $0x0  }
0xa4: {  	s25 =	simm.s32 $0x1B8E;
	s24 =	sld [smem:$0x3FFE];
	[sflag:s23] =	ssyncadd.s32 $0xFFFFFFFF  }
0xa5: {  	s26 =	simm.s32 $execute0_lowered;
	[smem:$0x3FD2] =	sst s25  }
0xa6: {  	s5 =	sshll.u32 s26, $0x1;
	_ =	strace $0x80000046;
	[dreg:$0x1] =	wrdreg $0xFFFFFFFF  }
0xa7: {  	s28 =	simm.s32 $_size_execute0_lowered;
	s3 =	sadd.s32 s3, s5;
	[dreg:$0x0] =	wrdreg $0x0  }
0xa8: {  	s5 =	sshll.u32 s28, $0x1;
	[dreg:$0x2] =	wrdreg s3  }
0xa9: {  	[dreg:$0x3] =	wrdreg s5  }
0xaa: {  	[dreg:$0x4] =	wrdreg $0xC0  }
0xab: {  	_ =	task [dreg:s7], $0x5FFFF  }
0xac: {  	[dreg:$0x1] =	wrdreg $0xFFFFFFFF  }
0xad: {  	[dreg:$0x0] =	wrdreg $0x60  }
0xae: {  	[dreg:$0x2] =	wrdreg s2  }
0xaf: {  	[dreg:$0x3] =	wrdreg s24  }
0xb0: {  	[dreg:$0x4] =	wrdreg $0x9  }
0xb1: {  	_ =	task.clear_ibuf [dreg:s7], $0x5FFFF;
	_ =	strace $0x90000046  }
0xb2: {  	s29 =	simm.s32 $0x9;
	_ =	strace $0x80000048  }
0xb3: {  	_ =	swait.ge [sflag:s29], $0x1  }
0xb4: {  	[sflag:s29] =	ssyncadd.s32 $0xFFFFFFFF  }
0xb5: {  	_ =	strace $0x90000048  }
0xb6: {  	_ =	sfence  }
0xb7: {  	s30 =	sld [smem:$0x0];
	_ =	sdelay $0x2  }
0xb8: {  	s31 =	sshll.u32 s1, $0xD;
	s1 =	sshrl.u32 s1, $0x2  }
0xb9: {  	s3 =	sand.u32 $0x4000, s31;
	s1 =	sadd.s32 s1, s30  }
0xba: {  	s0 =	sor.u32 s3, s0;
	s1 =	sshll.u32 s1, $0x11  }
0xbb: {  	s0 =	sor.u32 s1, s0  }
0xbc: {  	s0 =	sadd.s32 $0x8F2B, s0  }
0xbd: {  	[sflag:s0] =	ssyncadd.remote.s32 $0x1  }
0xbe: {  	_ =	sfence.sel $0xFFFF  }
0xbf: {  	[dreg:$0x0] =	wrdreg $0xFFFFFFFF;
	(pc) =	sbr.abs _section_cstart, $3  }
0xc0: {  	[dreg:$0x1] =	wrdreg $0xFFFFFFFF  }
0xc1: {  	_ =	task.clear_ibuf [dreg:s7], $0x2FFFF;
	_ =	strace $0x9FFFFFFF  }
0xc2: {  	(tm) =	ssettm $0x7FFFFFFF  }
0xc3: {  	_ =	shalt  }
tec
execute0_lowered:
.L_overlay_start_1:
0x0: {  	(tag) =	ssettag $0x1  }
0x1: {  	s1 =	srdreg.scid;
	s0 =	stileid.u32  }
0x2: {  	s30 =	sand.u32 $0x1, s1;
	s25 =	sshll.u32 s0, $0x1  }
0x3: {  	s15 =	sor.u32 s30, s25  }
0x4: {  	s3 =	rddreg [dreg:$0x0];
	s4 =	smul.u32 $0x280, s15  }
0x5: {  	s9 =	rddreg [dreg:$0x1];
	s2 =	simm.s32 $0x0  }
0x6: {  	[smem:$0x7FF] =	sst s2;
	s3 =	sadd.s32 s3, s4  }
0x7: {  	_ =	strace $0x80000047;
	[dreg:$0x3] =	wrdreg s3  }
0x8: {  	s3 =	simm.s32 $0x5;
	s26 =	rddreg [dreg:$0x3]  }
0x9: {  	[tilespmem:s2], [sflag:$0x5] =	stream.linear.gather [hbm4b:s26+s2], $0x1400, $0x38;
	[tilespmem:$0x11400] =	vst v63  }
0xa: {  	_ =	swait.ge [sflag:s3], $0x1400  }
0xb: {  	s5 =	simm.s32 $0x200;
	[sflag:s3] =	ssyncset.done $0x0  }
0xc: {  	s6 =	simm.s32 $0x1400;
	s4 =	sadd.s32 $0xF42A00, s9;
	[sflag:s3] =	ssyncadd.s32 $0xFFFFEC00  }
0xd: {  	[tilespmem:s6], [sflag:$0x1] =	stream.indirect.gather [hbm4b:s4+s5], $0x40, s2, s5, $0xb8;
	[tilespmem:$0x11400] =	vst v63  }
0xe: {  	s7 =	simm.s32 $0x9400;
	s8 =	simm.s32 $0x1  }
0xf: {  	[tilespmem:s7], [sflag:$0x2] =	stream.indirect.gather [hbm4b:s4+s5], $0x40, s5, s5, $0xb8;
	[tilespmem:$0x11400] =	vst v63  }
0x10: {  	s10 =	smul.u32 $0xA000, s15;
	_ =	swait.ge [sflag:s8], $0x8000  }
0x11: {  	s16 =	sadd.s32 $0x600, s9;
	[sflag:s8] =	ssyncset.done $0x0  }
0x12: {  	s9 =	sadd.s32 s16, s10;
	s10 =	simm.s32 $0x3;
	[sflag:s8] =	ssyncadd.s32 $0xFFFF8000  }
0x13: {  	[hbm4b:s9+s2] =	stream.linear.scatter [tilespmem:s6], [sflag:$0x3], $0x8000, $0x38;
	[tilespmem:$0x11400] =	vst v63  }
0x14: {  	_ =	swait.ge [sflag:s10], $0x8000  }
0x15: {  	[sflag:s10] =	ssyncset.done $0x0  }
0x16: {  	s11 =	simm.s32 $0x400;
	s12 =	simm.s32 $0x2;
	[sflag:s10] =	ssyncadd.s32 $0xFFFF8000  }
0x17: {  	[tilespmem:s6], [sflag:$0x1] =	stream.indirect.gather [hbm4b:s4+s5], $0x40, s11, s5, $0xb8;
	[tilespmem:$0x11400] =	vst v63  }
0x18: {  	_ =	swait.ge [sflag:s12], $0x8000  }
0x19: {  	[sflag:s12] =	ssyncset.done $0x0  }
0x1a: {  	s13 =	simm.s32 $0x4;
	s14 =	sadd.s32 $0x1000, s9;
	[sflag:s12] =	ssyncadd.s32 $0xFFFF8000  }
0x1b: {  	[hbm4b:s14+s2] =	stream.linear.scatter [tilespmem:s7], [sflag:$0x4], $0x8000, $0x38;
	[tilespmem:$0x11400] =	vst v63  }
0x1c: {  	_ =	swait.ge [sflag:s13], $0x8000  }
0x1d: {  	[sflag:s13] =	ssyncset.done $0x0  }
0x1e: {  	s17 =	smul.u32 $0x50000, s15;
	s15 =	simm.s32 $0x600;
	[sflag:s13] =	ssyncadd.s32 $0xFFFF8000  }
0x1f: {  	[tilespmem:s7], [sflag:$0x2] =	stream.indirect.gather [hbm4b:s4+s5], $0x40, s15, s5, $0xb8;
	[tilespmem:$0x11400] =	vst v63  }
0x20: {  	s17 =	sshrl.u32 s17, $0x3;
	_ =	swait.ge [sflag:s8], $0x8000  }
0x21: {  	s31 =	sadd.s32 s16, s17;
	[sflag:s8] =	ssyncset.done $0x0  }
0x22: {  	s16 =	sadd.s32 $0x2000, s31;
	[sflag:s8] =	ssyncadd.s32 $0xFFFF8000  }
0x23: {  	[hbm4b:s16+s2] =	stream.linear.scatter [tilespmem:s6], [sflag:$0x3], $0x8000, $0x38;
	[tilespmem:$0x11400] =	vst v63  }
0x24: {  	_ =	swait.ge [sflag:s10], $0x8000  }
0x25: {  	[sflag:s10] =	ssyncset.done $0x0  }
0x26: {  	s17 =	simm.s32 $0x800;
	[sflag:s10] =	ssyncadd.s32 $0xFFFF8000  }
0x27: {  	[tilespmem:s6], [sflag:$0x1] =	stream.indirect.gather [hbm4b:s4+s5], $0x40, s17, s5, $0xb8;
	[tilespmem:$0x11400] =	vst v63  }
0x28: {  	_ =	swait.ge [sflag:s12], $0x8000  }
0x29: {  	[sflag:s12] =	ssyncset.done $0x0  }
0x2a: {  	s18 =	sadd.s32 $0x3000, s31;
	[sflag:s12] =	ssyncadd.s32 $0xFFFF8000  }
0x2b: {  	[hbm4b:s18+s2] =	stream.linear.scatter [tilespmem:s7], [sflag:$0x4], $0x8000, $0x38;
	[tilespmem:$0x11400] =	vst v63  }
0x2c: {  	_ =	swait.ge [sflag:s13], $0x8000  }
0x2d: {  	[sflag:s13] =	ssyncset.done $0x0  }
0x2e: {  	s19 =	simm.s32 $0xA00;
	[sflag:s13] =	ssyncadd.s32 $0xFFFF8000  }
0x2f: {  	[tilespmem:s7], [sflag:$0x2] =	stream.indirect.gather [hbm4b:s4+s5], $0x40, s19, s5, $0xb8;
	[tilespmem:$0x11400] =	vst v63  }
0x30: {  	_ =	swait.ge [sflag:s8], $0x8000  }
0x31: {  	[sflag:s8] =	ssyncset.done $0x0  }
0x32: {  	s20 =	sadd.s32 $0x4000, s31;
	[sflag:s8] =	ssyncadd.s32 $0xFFFF8000  }
0x33: {  	[hbm4b:s20+s2] =	stream.linear.scatter [tilespmem:s6], [sflag:$0x3], $0x8000, $0x38;
	[tilespmem:$0x11400] =	vst v63  }
0x34: {  	_ =	swait.ge [sflag:s10], $0x8000  }
0x35: {  	[sflag:s10] =	ssyncset.done $0x0  }
0x36: {  	s21 =	simm.s32 $0xC00;
	[sflag:s10] =	ssyncadd.s32 $0xFFFF8000  }
0x37: {  	[tilespmem:s6], [sflag:$0x1] =	stream.indirect.gather [hbm4b:s4+s5], $0x40, s21, s5, $0xb8;
	[tilespmem:$0x11400] =	vst v63  }
0x38: {  	_ =	swait.ge [sflag:s12], $0x8000  }
0x39: {  	[sflag:s12] =	ssyncset.done $0x0  }
0x3a: {  	s22 =	sadd.s32 $0x5000, s31;
	[sflag:s12] =	ssyncadd.s32 $0xFFFF8000  }
0x3b: {  	[hbm4b:s22+s2] =	stream.linear.scatter [tilespmem:s7], [sflag:$0x4], $0x8000, $0x38;
	[tilespmem:$0x11400] =	vst v63  }
0x3c: {  	_ =	swait.ge [sflag:s13], $0x8000  }
0x3d: {  	[sflag:s13] =	ssyncset.done $0x0  }
0x3e: {  	s23 =	simm.s32 $0xE00;
	[sflag:s13] =	ssyncadd.s32 $0xFFFF8000  }
0x3f: {  	[tilespmem:s7], [sflag:$0x2] =	stream.indirect.gather [hbm4b:s4+s5], $0x40, s23, s5, $0xb8;
	[tilespmem:$0x11400] =	vst v63  }
0x40: {  	_ =	swait.ge [sflag:s8], $0x8000  }
0x41: {  	[sflag:s8] =	ssyncset.done $0x0  }
0x42: {  	s24 =	sadd.s32 $0x6000, s31;
	[sflag:s8] =	ssyncadd.s32 $0xFFFF8000  }
0x43: {  	[hbm4b:s24+s2] =	stream.linear.scatter [tilespmem:s6], [sflag:$0x3], $0x8000, $0x38;
	[tilespmem:$0x11400] =	vst v63  }
0x44: {  	_ =	swait.ge [sflag:s10], $0x8000  }
0x45: {  	[sflag:s10] =	ssyncset.done $0x0  }
0x46: {  	s25 =	simm.s32 $0x1000;
	[sflag:s10] =	ssyncadd.s32 $0xFFFF8000  }
0x47: {  	[tilespmem:s6], [sflag:$0x1] =	stream.indirect.gather [hbm4b:s4+s5], $0x40, s25, s5, $0xb8;
	[tilespmem:$0x11400] =	vst v63  }
0x48: {  	_ =	swait.ge [sflag:s12], $0x8000  }
0x49: {  	[sflag:s12] =	ssyncset.done $0x0  }
0x4a: {  	s26 =	sadd.s32 $0x7000, s31;
	[sflag:s12] =	ssyncadd.s32 $0xFFFF8000  }
0x4b: {  	[hbm4b:s26+s2] =	stream.linear.scatter [tilespmem:s7], [sflag:$0x4], $0x8000, $0x38;
	[tilespmem:$0x11400] =	vst v63  }
0x4c: {  	_ =	swait.ge [sflag:s13], $0x8000  }
0x4d: {  	[sflag:s13] =	ssyncset.done $0x0  }
0x4e: {  	s28 =	simm.s32 $0x1200;
	[sflag:s13] =	ssyncadd.s32 $0xFFFF8000  }
0x4f: {  	[tilespmem:s7], [sflag:$0x2] =	stream.indirect.gather [hbm4b:s4+s5], $0x40, s28, s5, $0xb8;
	[tilespmem:$0x11400] =	vst v63  }
0x50: {  	_ =	swait.ge [sflag:s8], $0x8000  }
0x51: {  	s1 =	ssub.s32 $0x2, s30;
	s29 =	sadd.s32 $0x8000, s31;
	[sflag:s8] =	ssyncset.done $0x0  }
0x52: {  	s30 =	sadd.s32 $0x9000, s31;
	s31 =	sshrl.u32 s1, $0x1;
	[sflag:s8] =	ssyncadd.s32 $0xFFFF8000  }
0x53: {  	[hbm4b:s29+s2] =	stream.linear.scatter [tilespmem:s6], [sflag:$0x3], $0x8000, $0x38;
	[tilespmem:$0x11400] =	vst v63  }
0x54: {  	s1 =	ssub.s32 s1, s31;
	_ =	swait.ge [sflag:s12], $0x8000  }
0x55: {  	s1 =	smax.u32 s1, $0x1;
	[sflag:s12] =	ssyncset.done $0x0  }
0x56: {  	p0 =	sne.s32 s1, $0x1;
	[sflag:s12] =	ssyncadd.s32 $0xFFFF8000  }
0x57: {  	[hbm4b:s30+s2] =	stream.linear.scatter [tilespmem:s7], [sflag:$0x4], $0x8000, $0x38;
	[tilespmem:$0x11400] =	vst v63  }
.Ltmp0:
0x58: {  	_ =	swait.ge [sflag:s10], $0x8000;
	(pc) =	sbr.rel @!p0 .LBB2_2-.Ltmp0, $4  }
0x59: {  	[sflag:s10] =	ssyncset.done $0x0  }
0x5a: {  	[sflag:s10] =	ssyncadd.s32 $0xFFFF8000  }
0x5b: {  	_ =	swait.ge [sflag:s13], $0x8000  }
0x5c: {  	s31 =	sadd.s32 $0xFFFFFFFF, s1;
	[sflag:s13] =	ssyncset.done $0x0  }
.LBB2_1:
0x5d: {  	s1 =	rddreg [dreg:$0x3];
	[sflag:s13] =	ssyncadd.s32 $0xFFFF8000  }
0x5e: {  	[tilespmem:s2], [sflag:$0x5] =	stream.linear.gather [hbm4b:s1+s2], $0x1400, $0x38;
	[tilespmem:$0x11400] =	vst v63  }
0x5f: {  	_ =	swait.ge [sflag:s3], $0x1400  }
0x60: {  	[sflag:s3] =	ssyncset.done $0x0  }
0x61: {  	[sflag:s3] =	ssyncadd.s32 $0xFFFFEC00  }
0x62: {  	[tilespmem:s6], [sflag:$0x1] =	stream.indirect.gather [hbm4b:s4+s5], $0x40, s2, s5, $0xb8;
	[tilespmem:$0x11400] =	vst v63  }
0x63: {  	_ = 	snop  }
0x64: {  	[tilespmem:s7], [sflag:$0x2] =	stream.indirect.gather [hbm4b:s4+s5], $0x40, s5, s5, $0xb8;
	[tilespmem:$0x11400] =	vst v63  }
0x65: {  	_ =	swait.ge [sflag:s8], $0x8000  }
0x66: {  	[sflag:s8] =	ssyncset.done $0x0  }
0x67: {  	[sflag:s8] =	ssyncadd.s32 $0xFFFF8000  }
0x68: {  	[hbm4b:s9+s2] =	stream.linear.scatter [tilespmem:s6], [sflag:$0x3], $0x8000, $0x38;
	[tilespmem:$0x11400] =	vst v63  }
0x69: {  	_ =	swait.ge [sflag:s10], $0x8000  }
0x6a: {  	[sflag:s10] =	ssyncset.done $0x0  }
0x6b: {  	[sflag:s10] =	ssyncadd.s32 $0xFFFF8000  }
0x6c: {  	[tilespmem:s6], [sflag:$0x1] =	stream.indirect.gather [hbm4b:s4+s5], $0x40, s11, s5, $0xb8;
	[tilespmem:$0x11400] =	vst v63  }
0x6d: {  	_ =	swait.ge [sflag:s12], $0x8000  }
0x6e: {  	[sflag:s12] =	ssyncset.done $0x0  }
0x6f: {  	[sflag:s12] =	ssyncadd.s32 $0xFFFF8000  }
0x70: {  	[hbm4b:s14+s2] =	stream.linear.scatter [tilespmem:s7], [sflag:$0x4], $0x8000, $0x38;
	[tilespmem:$0x11400] =	vst v63  }
0x71: {  	_ =	swait.ge [sflag:s13], $0x8000  }
0x72: {  	[sflag:s13] =	ssyncset.done $0x0  }
0x73: {  	[sflag:s13] =	ssyncadd.s32 $0xFFFF8000  }
0x74: {  	[tilespmem:s7], [sflag:$0x2] =	stream.indirect.gather [hbm4b:s4+s5], $0x40, s15, s5, $0xb8;
	[tilespmem:$0x11400] =	vst v63  }
0x75: {  	_ =	swait.ge [sflag:s8], $0x8000  }
0x76: {  	[sflag:s8] =	ssyncset.done $0x0  }
0x77: {  	[sflag:s8] =	ssyncadd.s32 $0xFFFF8000  }
0x78: {  	[hbm4b:s16+s2] =	stream.linear.scatter [tilespmem:s6], [sflag:$0x3], $0x8000, $0x38;
	[tilespmem:$0x11400] =	vst v63  }
0x79: {  	_ =	swait.ge [sflag:s10], $0x8000  }
0x7a: {  	[sflag:s10] =	ssyncset.done $0x0  }
0x7b: {  	[sflag:s10] =	ssyncadd.s32 $0xFFFF8000  }
0x7c: {  	[tilespmem:s6], [sflag:$0x1] =	stream.indirect.gather [hbm4b:s4+s5], $0x40, s17, s5, $0xb8;
	[tilespmem:$0x11400] =	vst v63  }
0x7d: {  	_ =	swait.ge [sflag:s12], $0x8000  }
0x7e: {  	[sflag:s12] =	ssyncset.done $0x0  }
0x7f: {  	[sflag:s12] =	ssyncadd.s32 $0xFFFF8000  }
0x80: {  	[hbm4b:s18+s2] =	stream.linear.scatter [tilespmem:s7], [sflag:$0x4], $0x8000, $0x38;
	[tilespmem:$0x11400] =	vst v63  }
0x81: {  	_ =	swait.ge [sflag:s13], $0x8000  }
0x82: {  	[sflag:s13] =	ssyncset.done $0x0  }
0x83: {  	[sflag:s13] =	ssyncadd.s32 $0xFFFF8000  }
0x84: {  	[tilespmem:s7], [sflag:$0x2] =	stream.indirect.gather [hbm4b:s4+s5], $0x40, s19, s5, $0xb8;
	[tilespmem:$0x11400] =	vst v63  }
0x85: {  	_ =	swait.ge [sflag:s8], $0x8000  }
0x86: {  	[sflag:s8] =	ssyncset.done $0x0  }
0x87: {  	[sflag:s8] =	ssyncadd.s32 $0xFFFF8000  }
0x88: {  	[hbm4b:s20+s2] =	stream.linear.scatter [tilespmem:s6], [sflag:$0x3], $0x8000, $0x38;
	[tilespmem:$0x11400] =	vst v63  }
0x89: {  	_ =	swait.ge [sflag:s10], $0x8000  }
0x8a: {  	[sflag:s10] =	ssyncset.done $0x0  }
0x8b: {  	[sflag:s10] =	ssyncadd.s32 $0xFFFF8000  }
0x8c: {  	[tilespmem:s6], [sflag:$0x1] =	stream.indirect.gather [hbm4b:s4+s5], $0x40, s21, s5, $0xb8;
	[tilespmem:$0x11400] =	vst v63  }
0x8d: {  	_ =	swait.ge [sflag:s12], $0x8000  }
0x8e: {  	[sflag:s12] =	ssyncset.done $0x0  }
0x8f: {  	[sflag:s12] =	ssyncadd.s32 $0xFFFF8000  }
0x90: {  	[hbm4b:s22+s2] =	stream.linear.scatter [tilespmem:s7], [sflag:$0x4], $0x8000, $0x38;
	[tilespmem:$0x11400] =	vst v63  }
0x91: {  	_ =	swait.ge [sflag:s13], $0x8000  }
0x92: {  	[sflag:s13] =	ssyncset.done $0x0  }
0x93: {  	[sflag:s13] =	ssyncadd.s32 $0xFFFF8000  }
0x94: {  	[tilespmem:s7], [sflag:$0x2] =	stream.indirect.gather [hbm4b:s4+s5], $0x40, s23, s5, $0xb8;
	[tilespmem:$0x11400] =	vst v63  }
0x95: {  	_ =	swait.ge [sflag:s8], $0x8000  }
0x96: {  	[sflag:s8] =	ssyncset.done $0x0  }
0x97: {  	[sflag:s8] =	ssyncadd.s32 $0xFFFF8000  }
0x98: {  	[hbm4b:s24+s2] =	stream.linear.scatter [tilespmem:s6], [sflag:$0x3], $0x8000, $0x38;
	[tilespmem:$0x11400] =	vst v63  }
0x99: {  	_ =	swait.ge [sflag:s10], $0x8000  }
0x9a: {  	[sflag:s10] =	ssyncset.done $0x0  }
0x9b: {  	[sflag:s10] =	ssyncadd.s32 $0xFFFF8000  }
0x9c: {  	[tilespmem:s6], [sflag:$0x1] =	stream.indirect.gather [hbm4b:s4+s5], $0x40, s25, s5, $0xb8;
	[tilespmem:$0x11400] =	vst v63  }
0x9d: {  	_ =	swait.ge [sflag:s12], $0x8000  }
0x9e: {  	[sflag:s12] =	ssyncset.done $0x0  }
0x9f: {  	[sflag:s12] =	ssyncadd.s32 $0xFFFF8000  }
0xa0: {  	[hbm4b:s26+s2] =	stream.linear.scatter [tilespmem:s7], [sflag:$0x4], $0x8000, $0x38;
	[tilespmem:$0x11400] =	vst v63  }
0xa1: {  	_ =	swait.ge [sflag:s13], $0x8000  }
0xa2: {  	[sflag:s13] =	ssyncset.done $0x0  }
0xa3: {  	[sflag:s13] =	ssyncadd.s32 $0xFFFF8000  }
0xa4: {  	[tilespmem:s7], [sflag:$0x2] =	stream.indirect.gather [hbm4b:s4+s5], $0x40, s28, s5, $0xb8;
	[tilespmem:$0x11400] =	vst v63  }
0xa5: {  	_ =	swait.ge [sflag:s8], $0x8000  }
0xa6: {  	[sflag:s8] =	ssyncset.done $0x0  }
0xa7: {  	[sflag:s8] =	ssyncadd.s32 $0xFFFF8000  }
0xa8: {  	[hbm4b:s29+s2] =	stream.linear.scatter [tilespmem:s6], [sflag:$0x3], $0x8000, $0x38;
	[tilespmem:$0x11400] =	vst v63  }
0xa9: {  	_ =	swait.ge [sflag:s12], $0x8000  }
0xaa: {  	[sflag:s12] =	ssyncset.done $0x0  }
0xab: {  	p0 =	sne.s32 s31, $0x1;
	[sflag:s12] =	ssyncadd.s32 $0xFFFF8000  }
0xac: {  	[hbm4b:s30+s2] =	stream.linear.scatter [tilespmem:s7], [sflag:$0x4], $0x8000, $0x38;
	[tilespmem:$0x11400] =	vst v63  }
.Ltmp1:
0xad: {  	_ =	swait.ge [sflag:s10], $0x8000;
	(pc) =	sbr.rel @p0 .LBB2_1-.Ltmp1, $4  }
0xae: {  	[sflag:s10] =	ssyncset.done $0x0  }
0xaf: {  	[sflag:s10] =	ssyncadd.s32 $0xFFFF8000  }
0xb0: {  	_ =	swait.ge [sflag:s13], $0x8000  }
0xb1: {  	s31 =	sadd.s32 $0xFFFFFFFF, s31;
	[sflag:s13] =	ssyncset.done $0x0  }
.LBB2_2:
0xb2: {  	[sflag:s13] =	ssyncadd.s32 $0xFFFF8000  }
0xb3: {  	_ =	sfence.sel $0x180000  }
0xb4: {  	[bflag:$0x0] =	sbarrier.arrive $0xFFFF  }
0xb5: {  	_ =	strace $0x90000047  }
0xb6: {  	[bflag:$0x2] =	sbarrier.arrive $0xFFFF  }
0xb7: {  	p0 =	sne.s32 s0, $0x0;
	s0 =	rddreg [dreg:$0x2]  }
0xb8: {  	s0 =	sadd.s32 @!p0 $0x100000, s0  }
0xb9: {  	[sflag:s0] =	ssyncadd.tile.s32 @!p0 $0x1;
	_ =	shalt  }
.Lfunc_end2:
_tile_overlayer_lowered:
.L_overlay_start_2:
0xba: {  	(tag) =	ssettag $0x2  }
0xbb: {  	s0 =	rddreg [dreg:$0x0];
	s2 =	stileid.u32  }
0xbc: {  	s1 =	rddreg [dreg:$0x1];
	p0 =	sne.s32 s2, $0x0  }
0xbd: {  	s3 =	rddreg [dreg:$0x2];
	[bflag:$0x3] =	sbarrier.arrive $0xFFFF;
	s2 =	simm.s32 @!p0 $0x1C05  }
0xbe: {  	[timem:s3], [sflag:s2] =	dma.local @!p0 [hbm:s0], s1  }
0xbf: {  	s0 =	simm.s32 @!p0 $0x5  }
0xc0: {  	_ =	swait.ge @!p0 [sflag:s0], s1  }
0xc1: {  	s1 =	ssub.s32 @!p0 $0x0, s1;
	[sflag:s0] =	ssyncset.done @!p0 $0x0  }
0xc2: {  	[sflag:s0] =	ssyncadd.s32 @!p0 s1  }
0xc3: {  	[bflag:$0x3] =	sbarrier.arrive $0xFFFF  }
0xc4: {  	_ =	shalt  }

</sc_bundles>
